<compile_context>
chip_gen: v7x
topology: tpu7x:2x2x1
jax: 0.10.2.dev20260603
libtpu: 0.0.44.dev20260713+nightly
codegen_flags: <defaults>
</compile_context>

<pallas_src>
import functools

import jax
import jax.numpy as jnp
from jax import lax
from jax.experimental import pallas as pl
from jax.experimental.pallas import tpu as pltpu
from jax.experimental.pallas import tpu_sc as plsc

VOCAB = 100000
EMBED = 256
BATCH = 4096
HIST = 200

NC = 2
NS = 16
NW = NC * NS

B = BATCH * HIST
CHUNK = 80
PER_W = B // NW
NCH = PER_W // CHUNK
NBUF = 4


def _emb_body(idx_hbm, table_hbm, out_hbm, idx_v,
              buf0, buf1, buf2, buf3,
              gsem0, gsem1, gsem2, gsem3,
              wsem0, wsem1, wsem2, wsem3):
    wid = lax.axis_index("s") * NC + lax.axis_index("c")
    row_base = wid * PER_W
    chunk_base = wid * NCH

    pltpu.sync_copy(idx_hbm.at[pl.ds(chunk_base, NCH)], idx_v)

    bufs = (buf0, buf1, buf2, buf3)
    gsems = (gsem0, gsem1, gsem2, gsem3)
    wsems = (wsem0, wsem1, wsem2, wsem3)

    def gather(j, b):
        return pltpu.make_async_copy(
            table_hbm.at[idx_v.at[j]], bufs[b], gsems[b])

    def write(j, b):
        return pltpu.make_async_copy(
            bufs[b], out_hbm.at[pl.ds(row_base + j * CHUNK, CHUNK)],
            wsems[b])

    gather(0, 0).start()
    gather(1, 1).start()

    def step(i, carry):
        j = i * NBUF
        for b in range(NBUF):
            k = j + b
            gather(k, b).wait()

            bb = (b + 2) % NBUF

            @pl.when(k < NCH - 2)
            def _():
                gather(k + 2, bb).start()

        return carry

    lax.fori_loop(0, NCH // NBUF, step, 0)



@functools.partial(jax.jit, static_argnames=())
def kernel(x, table):
    idx = x.reshape(-1).astype(jnp.int32).reshape(NW * NCH, CHUNK)
    mesh = plsc.VectorSubcoreMesh(core_axis_name="c", subcore_axis_name="s")
    out = pl.kernel(
        _emb_body,
        mesh=mesh,
        out_type=jax.ShapeDtypeStruct((B, EMBED), jnp.float32),
        scratch_types=[
            pltpu.VMEM((NCH, CHUNK), jnp.int32),
            pltpu.VMEM((CHUNK, EMBED), jnp.float32),
            pltpu.VMEM((CHUNK, EMBED), jnp.float32),
            pltpu.VMEM((CHUNK, EMBED), jnp.float32),
            pltpu.VMEM((CHUNK, EMBED), jnp.float32),
            pltpu.SemaphoreType.DMA,
            pltpu.SemaphoreType.DMA,
            pltpu.SemaphoreType.DMA,
            pltpu.SemaphoreType.DMA,
            pltpu.SemaphoreType.DMA,
            pltpu.SemaphoreType.DMA,
            pltpu.SemaphoreType.DMA,
            pltpu.SemaphoreType.DMA,
        ],
    )(idx, table)
    return out.reshape(BATCH, HIST, EMBED)

# --- scband reference (transcript-rebuilt; emitter-appended) ---
"""Pipeline reference for scband-text-48902497632306 (READ-ONLY COPY).

The authoritative reference and input builder live on the scoring server;
editing this copy changes nothing except your own understanding.
"""

import jax, jax.numpy as jnp
import numpy as np

VOCAB = 100000
EMBED = 256  # constant['text embedding size']
BATCH = 4096
HIST = 200

def setup_inputs(seed: int = 0) -> dict:
    key = jax.random.key(seed)
    k1, k2 = jax.random.split(key)
    x = jax.random.randint(k1, (BATCH, HIST), 0, VOCAB)
    table = jax.random.normal(k2, (VOCAB, EMBED), dtype=jnp.float32) * 0.02
    return {"x": x, "table": table}

def reference(x, table):
    # nn.Embedding forward: gather rows of the table by index
    y = jnp.take(table, x, axis=0)
    return y

if __name__ == "__main__":
    import jax
    _d = setup_inputs()
    print(jax.jit(kernel)(*tuple(_d.values())))

</pallas_src>

<mosaic_0001>
#map = affine_map<(d0, d1) -> (0, 0)>
module attributes {stable_mosaic.version = 14 : i64} {
  func.func @_emb_body(%arg0: i32, %arg1: i32, %arg2: memref<10240x80xi32, #tpu.memory_space<hbm>>, %arg3: memref<100000x256xf32, #tpu.memory_space<hbm>>, %arg4: memref<819200x256xf32, #tpu.memory_space<hbm>>, %arg5: memref<320x80xi32, #tpu.memory_space<vmem>>, %arg6: memref<80x256xf32, #tpu.memory_space<vmem>>, %arg7: memref<80x256xf32, #tpu.memory_space<vmem>>, %arg8: memref<80x256xf32, #tpu.memory_space<vmem>>, %arg9: memref<80x256xf32, #tpu.memory_space<vmem>>, %arg10: memref<!tpu.dma_semaphore, #tpu.memory_space<semaphore_mem>>, %arg11: memref<!tpu.dma_semaphore, #tpu.memory_space<semaphore_mem>>, %arg12: memref<!tpu.dma_semaphore, #tpu.memory_space<semaphore_mem>>, %arg13: memref<!tpu.dma_semaphore, #tpu.memory_space<semaphore_mem>>, %arg14: memref<!tpu.dma_semaphore, #tpu.memory_space<semaphore_mem>>, %arg15: memref<!tpu.dma_semaphore, #tpu.memory_space<semaphore_mem>>, %arg16: memref<!tpu.dma_semaphore, #tpu.memory_space<semaphore_mem>>, %arg17: memref<!tpu.dma_semaphore, #tpu.memory_space<semaphore_mem>>) attributes {dimension_semantics = [#tpu.dimension_semantics<core_parallel>, #tpu.dimension_semantics<subcore_parallel>], iteration_bounds = array<i64: 2, 16>, scalar_prefetch = 0 : i64, scratch_operands = 13 : i64, tpu.core_type = #tpu.core_type<sc_vector_subcore>, window_params = [{transform_indices = #map}, {transform_indices = #map}, {transform_indices = #map}]} {
    %mul3A = arith.constant 2 : i32
    %mul3A_0 = arith.muli %arg1, %mul3A : i32
    %add3A = arith.addi %mul3A_0, %arg0 : i32
    %mul3A_1 = arith.constant 25600 : i32
    %mul3A_2 = arith.muli %add3A, %mul3A_1 : i32
    %mul3A_3 = arith.constant 320 : i32
    %mul3A_4 = arith.muli %add3A, %mul3A_3 : i32
    "tpu.region"() ({
      %run_scoped3A = tpu.sem_alloc : memref<!tpu.dma_semaphore, #tpu.memory_space<semaphore_mem>>
      %dma_start3A_23 = arith.constant 0 : i32
      %dma_start3A_24 = tpu.memref_slice %arg2[%mul3A_4, %dma_start3A_23] : memref<10240x80xi32, #tpu.memory_space<hbm>> -> memref<320x80xi32, #tpu.memory_space<hbm>>
      %dma_start3A_25 = arith.constant 0 : i32
      %dma_start3A_26 = tpu.memref_slice %arg2[%mul3A_4, %dma_start3A_25] : memref<10240x80xi32, #tpu.memory_space<hbm>> -> memref<320x80xi32, #tpu.memory_space<hbm>>
      tpu.enqueue_dma source(%dma_start3A_26 : memref<320x80xi32, #tpu.memory_space<hbm>>) target(%arg5 : memref<320x80xi32, #tpu.memory_space<vmem>>) target_semaphore(%run_scoped3A : memref<!tpu.dma_semaphore, #tpu.memory_space<semaphore_mem>>)
      %dma_wait3A = arith.constant 0 : i32
      %dma_wait3A_27 = tpu.memref_slice %arg2[%mul3A_4, %dma_wait3A] : memref<10240x80xi32, #tpu.memory_space<hbm>> -> memref<320x80xi32, #tpu.memory_space<hbm>>
      %dma_wait3A_28 = arith.constant 0 : i32
      %dma_wait3A_29 = tpu.memref_slice %arg2[%mul3A_4, %dma_wait3A_28] : memref<10240x80xi32, #tpu.memory_space<hbm>> -> memref<320x80xi32, #tpu.memory_space<hbm>>
      tpu.wait_dma2 semaphore(%run_scoped3A : memref<!tpu.dma_semaphore, #tpu.memory_space<semaphore_mem>>) src(%dma_wait3A_29 : memref<320x80xi32, #tpu.memory_space<hbm>>) dst(%arg5 : memref<320x80xi32, #tpu.memory_space<vmem>>)
      tpu.yield
    }) : () -> ()
    %dma_start3A = arith.constant 0 : i32
    %dma_start3A_5 = arith.constant 0 : i32
    %dma_start3A_6 = tpu.memref_slice %arg5[%dma_start3A, %dma_start3A_5] : memref<320x80xi32, #tpu.memory_space<vmem>> -> memref<1x80xi32, #tpu.memory_space<vmem>>
    %dma_start3A_7 = tpu.memref_squeeze %dma_start3A_6 : memref<1x80xi32, #tpu.memory_space<vmem>> -> memref<80xi32, #tpu.memory_space<vmem>>
    %dma_start3A_8 = arith.constant 0 : i32
    %dma_start3A_9 = arith.constant 0 : i32
    %dma_start3A_10 = tpu.memref_slice %arg3[%dma_start3A_8, %dma_start3A_9] : memref<100000x256xf32, #tpu.memory_space<hbm>> -> memref<100000x256xf32, #tpu.memory_space<hbm>>
    tpu.enqueue_indirect_dma source(%dma_start3A_10 : memref<100000x256xf32, #tpu.memory_space<hbm>>) target(%arg6 : memref<80x256xf32, #tpu.memory_space<vmem>>) offsets(%dma_start3A_7 : memref<80xi32, #tpu.memory_space<vmem>>) semaphore(%arg10 : memref<!tpu.dma_semaphore, #tpu.memory_space<semaphore_mem>>)
    %dma_start3A_11 = arith.constant 1 : i32
    %dma_start3A_12 = arith.constant 0 : i32
    %dma_start3A_13 = tpu.memref_slice %arg5[%dma_start3A_11, %dma_start3A_12] : memref<320x80xi32, #tpu.memory_space<vmem>> -> memref<1x80xi32, #tpu.memory_space<vmem>>
    %dma_start3A_14 = tpu.memref_squeeze %dma_start3A_13 : memref<1x80xi32, #tpu.memory_space<vmem>> -> memref<80xi32, #tpu.memory_space<vmem>>
    %dma_start3A_15 = arith.constant 0 : i32
    %dma_start3A_16 = arith.constant 0 : i32
    %dma_start3A_17 = tpu.memref_slice %arg3[%dma_start3A_15, %dma_start3A_16] : memref<100000x256xf32, #tpu.memory_space<hbm>> -> memref<100000x256xf32, #tpu.memory_space<hbm>>
    tpu.enqueue_indirect_dma source(%dma_start3A_17 : memref<100000x256xf32, #tpu.memory_space<hbm>>) target(%arg7 : memref<80x256xf32, #tpu.memory_space<vmem>>) offsets(%dma_start3A_14 : memref<80xi32, #tpu.memory_space<vmem>>) semaphore(%arg11 : memref<!tpu.dma_semaphore, #tpu.memory_space<semaphore_mem>>)
    %scan3A = arith.constant 0 : i32
    %scan3A_18 = arith.constant 0 : i32
    %scan3A_19 = arith.constant 80 : i32
    %scan3A_20 = arith.addi %scan3A_18, %scan3A_19 : i32
    %scan3A_21 = arith.constant 1 : i32
    scf.for %scan3A_23 = %scan3A_18 to %scan3A_20 step %scan3A_21  : i32 {
      %mul3A_24 = arith.constant 4 : i32
      %mul3A_25 = arith.muli %scan3A_23, %mul3A_24 : i32
      %add3A_26 = arith.constant 0 : i32
      %add3A_27 = arith.addi %mul3A_25, %add3A_26 : i32
      %dma_wait3A = arith.constant 0 : i32
      %dma_wait3A_28 = tpu.memref_slice %arg5[%add3A_27, %dma_wait3A] : memref<320x80xi32, #tpu.memory_space<vmem>> -> memref<1x80xi32, #tpu.memory_space<vmem>>
      %dma_wait3A_29 = tpu.memref_squeeze %dma_wait3A_28 : memref<1x80xi32, #tpu.memory_space<vmem>> -> memref<80xi32, #tpu.memory_space<vmem>>
      %dma_wait3A_30 = arith.constant 0 : i32
      %dma_wait3A_31 = arith.constant 0 : i32
      %dma_wait3A_32 = tpu.memref_slice %arg3[%dma_wait3A_30, %dma_wait3A_31] : memref<100000x256xf32, #tpu.memory_space<hbm>> -> memref<100000x256xf32, #tpu.memory_space<hbm>>
      tpu.wait_indirect_dma semaphore(%arg10 : memref<!tpu.dma_semaphore, #tpu.memory_space<semaphore_mem>>) src(%dma_wait3A_32 : memref<100000x256xf32, #tpu.memory_space<hbm>>) dst(%arg6 : memref<80x256xf32, #tpu.memory_space<vmem>>)
      %lt3A = arith.constant 318 : i32
      %lt3A_33 = arith.cmpi slt, %add3A_27, %lt3A : i32
      %convert_element_type3A = arith.extui %lt3A_33 : i1 to i32
      %cond3A = arith.constant 0 : i32
      %cond3A_34 = arith.cmpi ne, %convert_element_type3A, %cond3A : i32
      scf.if %cond3A_34 {
        %add3A_74 = arith.constant 2 : i32
        %add3A_75 = arith.addi %add3A_27, %add3A_74 : i32
        %dma_start3A_76 = arith.constant 0 : i32
        %dma_start3A_77 = tpu.memref_slice %arg5[%add3A_75, %dma_start3A_76] : memref<320x80xi32, #tpu.memory_space<vmem>> -> memref<1x80xi32, #tpu.memory_space<vmem>>
        %dma_start3A_78 = tpu.memref_squeeze %dma_start3A_77 : memref<1x80xi32, #tpu.memory_space<vmem>> -> memref<80xi32, #tpu.memory_space<vmem>>
        %dma_start3A_79 = arith.constant 0 : i32
        %dma_start3A_80 = arith.constant 0 : i32
        %dma_start3A_81 = tpu.memref_slice %arg3[%dma_start3A_79, %dma_start3A_80] : memref<100000x256xf32, #tpu.memory_space<hbm>> -> memref<100000x256xf32, #tpu.memory_space<hbm>>
        tpu.enqueue_indirect_dma source(%dma_start3A_81 : memref<100000x256xf32, #tpu.memory_space<hbm>>) target(%arg8 : memref<80x256xf32, #tpu.memory_space<vmem>>) offsets(%dma_start3A_78 : memref<80xi32, #tpu.memory_space<vmem>>) semaphore(%arg12 : memref<!tpu.dma_semaphore, #tpu.memory_space<semaphore_mem>>)
      } else {
      }
      %add3A_35 = arith.constant 1 : i32
      %add3A_36 = arith.addi %mul3A_25, %add3A_35 : i32
      %dma_wait3A_37 = arith.constant 0 : i32
      %dma_wait3A_38 = tpu.memref_slice %arg5[%add3A_36, %dma_wait3A_37] : memref<320x80xi32, #tpu.memory_space<vmem>> -> memref<1x80xi32, #tpu.memory_space<vmem>>
      %dma_wait3A_39 = tpu.memref_squeeze %dma_wait3A_38 : memref<1x80xi32, #tpu.memory_space<vmem>> -> memref<80xi32, #tpu.memory_space<vmem>>
      %dma_wait3A_40 = arith.constant 0 : i32
      %dma_wait3A_41 = arith.constant 0 : i32
      %dma_wait3A_42 = tpu.memref_slice %arg3[%dma_wait3A_40, %dma_wait3A_41] : memref<100000x256xf32, #tpu.memory_space<hbm>> -> memref<100000x256xf32, #tpu.memory_space<hbm>>
      tpu.wait_indirect_dma semaphore(%arg11 : memref<!tpu.dma_semaphore, #tpu.memory_space<semaphore_mem>>) src(%dma_wait3A_42 : memref<100000x256xf32, #tpu.memory_space<hbm>>) dst(%arg7 : memref<80x256xf32, #tpu.memory_space<vmem>>)
      %lt3A_43 = arith.constant 318 : i32
      %lt3A_44 = arith.cmpi slt, %add3A_36, %lt3A_43 : i32
      %convert_element_type3A_45 = arith.extui %lt3A_44 : i1 to i32
      %cond3A_46 = arith.constant 0 : i32
      %cond3A_47 = arith.cmpi ne, %convert_element_type3A_45, %cond3A_46 : i32
      scf.if %cond3A_47 {
        %add3A_74 = arith.constant 2 : i32
        %add3A_75 = arith.addi %add3A_36, %add3A_74 : i32
        %dma_start3A_76 = arith.constant 0 : i32
        %dma_start3A_77 = tpu.memref_slice %arg5[%add3A_75, %dma_start3A_76] : memref<320x80xi32, #tpu.memory_space<vmem>> -> memref<1x80xi32, #tpu.memory_space<vmem>>
        %dma_start3A_78 = tpu.memref_squeeze %dma_start3A_77 : memref<1x80xi32, #tpu.memory_space<vmem>> -> memref<80xi32, #tpu.memory_space<vmem>>
        %dma_start3A_79 = arith.constant 0 : i32
        %dma_start3A_80 = arith.constant 0 : i32
        %dma_start3A_81 = tpu.memref_slice %arg3[%dma_start3A_79, %dma_start3A_80] : memref<100000x256xf32, #tpu.memory_space<hbm>> -> memref<100000x256xf32, #tpu.memory_space<hbm>>
        tpu.enqueue_indirect_dma source(%dma_start3A_81 : memref<100000x256xf32, #tpu.memory_space<hbm>>) target(%arg9 : memref<80x256xf32, #tpu.memory_space<vmem>>) offsets(%dma_start3A_78 : memref<80xi32, #tpu.memory_space<vmem>>) semaphore(%arg13 : memref<!tpu.dma_semaphore, #tpu.memory_space<semaphore_mem>>)
      } else {
      }
      %add3A_48 = arith.constant 2 : i32
      %add3A_49 = arith.addi %mul3A_25, %add3A_48 : i32
      %dma_wait3A_50 = arith.constant 0 : i32
      %dma_wait3A_51 = tpu.memref_slice %arg5[%add3A_49, %dma_wait3A_50] : memref<320x80xi32, #tpu.memory_space<vmem>> -> memref<1x80xi32, #tpu.memory_space<vmem>>
      %dma_wait3A_52 = tpu.memref_squeeze %dma_wait3A_51 : memref<1x80xi32, #tpu.memory_space<vmem>> -> memref<80xi32, #tpu.memory_space<vmem>>
      %dma_wait3A_53 = arith.constant 0 : i32
      %dma_wait3A_54 = arith.constant 0 : i32
      %dma_wait3A_55 = tpu.memref_slice %arg3[%dma_wait3A_53, %dma_wait3A_54] : memref<100000x256xf32, #tpu.memory_space<hbm>> -> memref<100000x256xf32, #tpu.memory_space<hbm>>
      tpu.wait_indirect_dma semaphore(%arg12 : memref<!tpu.dma_semaphore, #tpu.memory_space<semaphore_mem>>) src(%dma_wait3A_55 : memref<100000x256xf32, #tpu.memory_space<hbm>>) dst(%arg8 : memref<80x256xf32, #tpu.memory_space<vmem>>)
      %lt3A_56 = arith.constant 318 : i32
      %lt3A_57 = arith.cmpi slt, %add3A_49, %lt3A_56 : i32
      %convert_element_type3A_58 = arith.extui %lt3A_57 : i1 to i32
      %cond3A_59 = arith.constant 0 : i32
      %cond3A_60 = arith.cmpi ne, %convert_element_type3A_58, %cond3A_59 : i32
      scf.if %cond3A_60 {
        %add3A_74 = arith.constant 2 : i32
        %add3A_75 = arith.addi %add3A_49, %add3A_74 : i32
        %dma_start3A_76 = arith.constant 0 : i32
        %dma_start3A_77 = tpu.memref_slice %arg5[%add3A_75, %dma_start3A_76] : memref<320x80xi32, #tpu.memory_space<vmem>> -> memref<1x80xi32, #tpu.memory_space<vmem>>
        %dma_start3A_78 = tpu.memref_squeeze %dma_start3A_77 : memref<1x80xi32, #tpu.memory_space<vmem>> -> memref<80xi32, #tpu.memory_space<vmem>>
        %dma_start3A_79 = arith.constant 0 : i32
        %dma_start3A_80 = arith.constant 0 : i32
        %dma_start3A_81 = tpu.memref_slice %arg3[%dma_start3A_79, %dma_start3A_80] : memref<100000x256xf32, #tpu.memory_space<hbm>> -> memref<100000x256xf32, #tpu.memory_space<hbm>>
        tpu.enqueue_indirect_dma source(%dma_start3A_81 : memref<100000x256xf32, #tpu.memory_space<hbm>>) target(%arg6 : memref<80x256xf32, #tpu.memory_space<vmem>>) offsets(%dma_start3A_78 : memref<80xi32, #tpu.memory_space<vmem>>) semaphore(%arg10 : memref<!tpu.dma_semaphore, #tpu.memory_space<semaphore_mem>>)
      } else {
      }
      %add3A_61 = arith.constant 3 : i32
      %add3A_62 = arith.addi %mul3A_25, %add3A_61 : i32
      %dma_wait3A_63 = arith.constant 0 : i32
      %dma_wait3A_64 = tpu.memref_slice %arg5[%add3A_62, %dma_wait3A_63] : memref<320x80xi32, #tpu.memory_space<vmem>> -> memref<1x80xi32, #tpu.memory_space<vmem>>
      %dma_wait3A_65 = tpu.memref_squeeze %dma_wait3A_64 : memref<1x80xi32, #tpu.memory_space<vmem>> -> memref<80xi32, #tpu.memory_space<vmem>>
      %dma_wait3A_66 = arith.constant 0 : i32
      %dma_wait3A_67 = arith.constant 0 : i32
      %dma_wait3A_68 = tpu.memref_slice %arg3[%dma_wait3A_66, %dma_wait3A_67] : memref<100000x256xf32, #tpu.memory_space<hbm>> -> memref<100000x256xf32, #tpu.memory_space<hbm>>
      tpu.wait_indirect_dma semaphore(%arg13 : memref<!tpu.dma_semaphore, #tpu.memory_space<semaphore_mem>>) src(%dma_wait3A_68 : memref<100000x256xf32, #tpu.memory_space<hbm>>) dst(%arg9 : memref<80x256xf32, #tpu.memory_space<vmem>>)
      %lt3A_69 = arith.constant 318 : i32
      %lt3A_70 = arith.cmpi slt, %add3A_62, %lt3A_69 : i32
      %convert_element_type3A_71 = arith.extui %lt3A_70 : i1 to i32
      %cond3A_72 = arith.constant 0 : i32
      %cond3A_73 = arith.cmpi ne, %convert_element_type3A_71, %cond3A_72 : i32
      scf.if %cond3A_73 {
        %add3A_74 = arith.constant 2 : i32
        %add3A_75 = arith.addi %add3A_62, %add3A_74 : i32
        %dma_start3A_76 = arith.constant 0 : i32
        %dma_start3A_77 = tpu.memref_slice %arg5[%add3A_75, %dma_start3A_76] : memref<320x80xi32, #tpu.memory_space<vmem>> -> memref<1x80xi32, #tpu.memory_space<vmem>>
        %dma_start3A_78 = tpu.memref_squeeze %dma_start3A_77 : memref<1x80xi32, #tpu.memory_space<vmem>> -> memref<80xi32, #tpu.memory_space<vmem>>
        %dma_start3A_79 = arith.constant 0 : i32
        %dma_start3A_80 = arith.constant 0 : i32
        %dma_start3A_81 = tpu.memref_slice %arg3[%dma_start3A_79, %dma_start3A_80] : memref<100000x256xf32, #tpu.memory_space<hbm>> -> memref<100000x256xf32, #tpu.memory_space<hbm>>
        tpu.enqueue_indirect_dma source(%dma_start3A_81 : memref<100000x256xf32, #tpu.memory_space<hbm>>) target(%arg7 : memref<80x256xf32, #tpu.memory_space<vmem>>) offsets(%dma_start3A_78 : memref<80xi32, #tpu.memory_space<vmem>>) semaphore(%arg11 : memref<!tpu.dma_semaphore, #tpu.memory_space<semaphore_mem>>)
      } else {
      }
    }
    %scan3A_22 = arith.constant 80 : i32
    return
  }
}

</mosaic_0001>

<sc_bundles>
// kernel: kernel.3.cloned.1.call-start
scs
__scs_entry_jumppad:
0x0: {  	(pc) =	sbr.rel $0x88, $3  }
0x1: {  	(tag) =	ssettag $0x0;
	lr =	simm.s32 $0x1  }
0x2: {  	[smem:$0x3F9F] =	sst lr;
	_ =	strace $0xD0000000  }
0x3: {  	_ = 	snop  }
0x4: {  	_ = 	snop  }
0x5: {  	_ = 	snop  }
0x6: {  	_ = 	snop  }
0x7: {  	_ = 	snop  }
__scs_overlays_trampoline_lowered:
0x8: {  	[smem:$0x3FAE] =	sst s0  }
0x9: {  	[smem:$0x3FAF] =	sst s1  }
0xa: {  	[smem:$0x3FB0] =	sst s2  }
0xb: {  	[smem:$0x3FB1] =	sst s3  }
0xc: {  	[smem:$0x3FB2] =	sst s4  }
0xd: {  	[smem:$0x3FB3] =	sst s5  }
0xe: {  	[smem:$0x3FB4] =	sst s6  }
0xf: {  	[smem:$0x3FB5] =	sst s7  }
0x10: {  	[smem:$0x3FB6] =	sst s8  }
0x11: {  	[smem:$0x3FB7] =	sst s9;
	s0 =	simm.s32 @!p0 $0x0  }
0x12: {  	s1 =	sld [smem:$0x3F9D];
	s0 =	simm.s32 @p0 $0x1  }
0x13: {  	[smem:$0x3FB8] =	sst s0;
	s0 =	simm.s32 @!p1 $0x0  }
0x14: {  	s2 =	sld [smem:$0x3F9C];
	s0 =	simm.s32 @p1 $0x1  }
0x15: {  	[smem:$0x3FB9] =	sst s0;
	s0 =	simm.s32 @!p2 $0x0  }
0x16: {  	s3 =	sld [smem:$0x3FDB];
	s0 =	simm.s32 @p2 $0x1  }
0x17: {  	s4 =	simm.s32 $0x1BF5;
	[smem:$0x3FBB] =	sst s0  }
0x18: {  	s0 =	sld [smem:$0x3F9E];
	_ =	swait.ge [sflag:s4], $0x0  }
0x19: {  	s7 =	sld [smem:$0x3F9F]  }
0x1a: {  	s8 =	sadd.s32 $0xFFFFE003, lr  }
0x1b: {  	s9 =	sadd.s32 $0xFFFFFEF7, lr;
	s5 =	simm.s32 $0xFFFFFFFF;
	p2 =	slt.u32 s8, $0xFFFFF086  }
0x1c: {  	p1 =	slt.u32 s9, $0xF7A;
	s5 =	simm.s32 @!p2 $0x0  }
0x1d: {  	s5 =	simm.s32 @p1 $0x1;
	p0 =	seq.s32 s7, s2  }
0x1e: {  	s7 =	smul.u32 @!p0 $0xF7A, s2;
	p2 =	seq.s32 @!p0 s5, $0x0  }
0x1f: {  	s9 =	smul.u32 $0xF7A, s1;
	s8 =	simm.s32 @!p0 $0x1BF5;
	p2 =	por !p2, p0  }
0x20: {  	[sflag:s8] =	ssyncset.s32 @!p0 $0xFFFFF086;
	s6 =	sadd.s32 @!p0 s3, s7;
	s7 =	simm.s32 @!p0 $0x108  }
0x21: {  	s3 =	sadd.s32 s3, s9;
	s6 =	sadd.s32 @!p0 $0x88, s6;
	s7 =	simm.s32 @p2 $0x1082  }
0x22: {  	[simem:s7], [sflag:s8] =	dma.local @!p0 [hbm:s6], $0xF7A  }
0x23: {  	s9 =	sor.u32 $0xD0000000, s2;
	s6 =	simm.s32 $0x108;
	_ =	swait.ge @!p0 [sflag:s8], $0x0  }
0x24: {  	s3 =	sadd.s32 $0x88, s3;
	s6 =	simm.s32 @!p1 $0x1082;
	[sflag:s4] =	ssyncset.s32 $0xFFFFF086  }
0x25: {  	[simem:s6], [sflag:s4] =	dma.local [hbm:s3], $0xF7A  }
0x26: {  	[smem:$0x3F9F] =	sst s1;
	(tag) =	ssettag s2;
	_ =	strace s9  }
0x27: {  	s1 =	sld [smem:$0x3FAF]  }
0x28: {  	s2 =	sld [smem:$0x3FB0]  }
0x29: {  	s4 =	sld [smem:$0x3FB2]  }
0x2a: {  	p0 =	seq.s32 s5, $0x0;
	s5 =	sld [smem:$0x3FB3]  }
0x2b: {  	s6 =	sld [smem:$0x3FB4]  }
0x2c: {  	s7 =	sld [smem:$0x3FB5]  }
0x2d: {  	s3 =	simm.s32 $0x108;
	s8 =	sld [smem:$0x3FB6]  }
0x2e: {  	s3 =	simm.s32 @!p0 $0x1082;
	s9 =	sld [smem:$0x3FB7]  }
0x2f: {  	lr =	sadd.s32 s0, s3;
	s0 =	sld [smem:$0x3FAE]  }
0x30: {  	s3 =	sld [smem:$0x3FB1]  }
0x31: {  	[smem:$0x3FBA] =	sst s10  }
0x32: {  	s10 =	sld [smem:$0x3FB8];
	_ =	sdelay $0x3  }
0x33: {  	p0 =	seq.s32 s10, $0x1;
	s10 =	sld [smem:$0x3FBA];
	_ =	sdelay $0x3  }
0x34: {  	[smem:$0x3FBA] =	sst s10  }
0x35: {  	s10 =	sld [smem:$0x3FB9];
	_ =	sdelay $0x3  }
0x36: {  	p1 =	seq.s32 s10, $0x1;
	s10 =	sld [smem:$0x3FBA];
	_ =	sdelay $0x3  }
0x37: {  	[smem:$0x3FBA] =	sst s10  }
0x38: {  	s10 =	sld [smem:$0x3FBB]  }
0x39: {  	_ = 	snop;
	(pc) =	sbr.ind lr, $3  }
0x3a: {  	_ = 	snop  }
0x3b: {  	_ = 	snop  }
0x3c: {  	p2 =	seq.s32 s10, $0x1;
	s10 =	sld [smem:$0x3FBA]  }
0x3d: {  	_ =	shalt  }
0x3e: {  	_ =	shalt  }
0x3f: {  	_ =	shalt  }
0x40: {  	_ =	shalt  }
0x41: {  	_ =	shalt  }
0x42: {  	_ =	shalt  }
0x43: {  	_ =	shalt  }
0x44: {  	_ =	shalt  }
0x45: {  	_ =	shalt  }
0x46: {  	_ =	shalt  }
0x47: {  	_ =	shalt  }
0x48: {  	_ =	shalt  }
0x49: {  	_ =	shalt  }
0x4a: {  	_ =	shalt  }
0x4b: {  	_ =	shalt  }
0x4c: {  	_ =	shalt  }
0x4d: {  	_ =	shalt  }
0x4e: {  	_ =	shalt  }
0x4f: {  	_ =	shalt  }
0x50: {  	_ =	shalt  }
0x51: {  	_ =	shalt  }
0x52: {  	_ =	shalt  }
0x53: {  	_ =	shalt  }
0x54: {  	_ =	shalt  }
0x55: {  	_ =	shalt  }
0x56: {  	_ =	shalt  }
0x57: {  	_ =	shalt  }
0x58: {  	_ =	shalt  }
0x59: {  	_ =	shalt  }
0x5a: {  	_ =	shalt  }
0x5b: {  	_ =	shalt  }
0x5c: {  	_ =	shalt  }
0x5d: {  	_ =	shalt  }
0x5e: {  	_ =	shalt  }
0x5f: {  	_ =	shalt  }
0x60: {  	_ =	shalt  }
0x61: {  	_ =	shalt  }
0x62: {  	_ =	shalt  }
0x63: {  	_ =	shalt  }
0x64: {  	_ =	shalt  }
0x65: {  	_ =	shalt  }
0x66: {  	_ =	shalt  }
0x67: {  	_ =	shalt  }
0x68: {  	_ =	shalt  }
0x69: {  	_ =	shalt  }
0x6a: {  	_ =	shalt  }
0x6b: {  	_ =	shalt  }
0x6c: {  	_ =	shalt  }
0x6d: {  	_ =	shalt  }
0x6e: {  	_ =	shalt  }
0x6f: {  	_ =	shalt  }
0x70: {  	_ =	shalt  }
0x71: {  	_ =	shalt  }
0x72: {  	_ =	shalt  }
0x73: {  	_ =	shalt  }
0x74: {  	_ =	shalt  }
0x75: {  	_ =	shalt  }
0x76: {  	_ =	shalt  }
0x77: {  	_ =	shalt  }
0x78: {  	_ =	shalt  }
0x79: {  	_ =	shalt  }
0x7a: {  	_ =	shalt  }
0x7b: {  	_ =	shalt  }
0x7c: {  	_ =	shalt  }
0x7d: {  	_ =	shalt  }
0x7e: {  	_ =	shalt  }
0x7f: {  	_ =	shalt  }
0x80: {  	_ =	shalt  }
0x81: {  	_ =	shalt  }
0x82: {  	_ =	shalt  }
0x83: {  	_ =	shalt  }
0x84: {  	_ =	shalt  }
0x85: {  	_ =	shalt  }
0x86: {  	_ =	shalt  }
0x87: {  	_ =	shalt  }
.Lfunc_end0:
.L_simem_size_0:
called_computation_lowered:
.L_overlay_start_0:
0x88: {  	s2 =	sld [smem:$0x3FD9]  }
0x89: {  	s3 =	sld [smem:$0x3FFE];
	_ =	sdelay $0x1  }
0x8a: {  	s1 =	srdreg.scid  }
0x8b: {  	s0 =	sand.u32 $0x1, s1  }
0x8c: {  	s17 =	sshll.u32 s0, $0xA;
	s2 =	sadd.s32 s3, s2  }
0x8d: {  	s2 =	sadd.s32 s2, s17  }
0x8e: {  	[smem:$0x3FC6] =	sst s2  }
0x8f: {  	_ = 	snop  }
0x90: {  	s2 =	sld [smem:$0x3FC8];
	(tm) =	ssettm $0x1  }
0x91: {  	s18 =	sld [smem:$0x3FFB];
	_ =	sdelay $0x3  }
0x92: {  	_ =	strace s18  }
0x93: {  	s3 =	sld [smem:$0x3FFC];
	_ =	sdelay $0x3  }
0x94: {  	_ =	strace s3  }
0x95: {  	s3 =	sld [smem:$0x3FFD];
	_ =	sdelay $0x3  }
0x96: {  	_ =	strace s3  }
0x97: {  	_ =	strace $0x8FFFFFFF  }
0x98: {  	s19 =	sld [smem:$0x3FDB];
	_ =	sdelay $0x1  }
0x99: {  	s4 =	simm.s32 $_scs_section_size  }
0x9a: {  	s5 =	simm.s32 $_size__tile_overlayer_lowered;
	s6 =	simm.s32 $_tile_overlayer_lowered  }
0x9b: {  	s22 =	simm.s32 $0x1BFF;
	s21 =	sshll.u32 s6, $0x1;
	s3 =	sadd.s32 s4, s19  }
0x9c: {  	s7 =	simm.s32 $0x0;
	s20 =	sshll.u32 s5, $0x1;
	s5 =	sadd.s32 s21, s3  }
0x9d: {  	[timem:s7], [sflag:s22] =	dma.local [hbm:s5], s20  }
0x9e: {  	_ =	swait.ge [sflag:s22], s20  }
0x9f: {  	s4 =	ssub.s32 $0x0, s20;
	[sflag:s22] =	ssyncset.done $0x0  }
0xa0: {  	[sflag:s22] =	ssyncadd.s32 s4;
	_ =	sdelay $0x1  }
0xa1: {  	s23 =	simm.s32 $0x1B8B  }
0xa2: {  	_ =	swait.ge [sflag:s23], $0x1  }
0xa3: {  	[sflag:s23] =	ssyncset.done $0x0  }
0xa4: {  	s25 =	simm.s32 $0x1B8E;
	s24 =	sld [smem:$0x3FFE];
	[sflag:s23] =	ssyncadd.s32 $0xFFFFFFFF  }
0xa5: {  	s26 =	simm.s32 $execute0_lowered;
	[smem:$0x3FD2] =	sst s25  }
0xa6: {  	s5 =	sshll.u32 s26, $0x1;
	_ =	strace $0x80000046;
	[dreg:$0x1] =	wrdreg $0xFFFFFFFF  }
0xa7: {  	s28 =	simm.s32 $_size_execute0_lowered;
	s3 =	sadd.s32 s3, s5;
	[dreg:$0x0] =	wrdreg $0x0  }
0xa8: {  	s5 =	sshll.u32 s28, $0x1;
	[dreg:$0x2] =	wrdreg s3  }
0xa9: {  	[dreg:$0x3] =	wrdreg s5  }
0xaa: {  	[dreg:$0x4] =	wrdreg $0xC0  }
0xab: {  	_ =	task [dreg:s7], $0x5FFFF  }
0xac: {  	[dreg:$0x1] =	wrdreg $0xFFFFFFFF  }
0xad: {  	[dreg:$0x0] =	wrdreg $0x60  }
0xae: {  	[dreg:$0x2] =	wrdreg s24  }
0xaf: {  	[dreg:$0x3] =	wrdreg s2  }
0xb0: {  	[dreg:$0x4] =	wrdreg $0x9  }
0xb1: {  	_ =	task.clear_ibuf [dreg:s7], $0x5FFFF;
	_ =	strace $0x90000046  }
0xb2: {  	s29 =	simm.s32 $0x9;
	_ =	strace $0x80000048  }
0xb3: {  	_ =	swait.ge [sflag:s29], $0x1  }
0xb4: {  	[sflag:s29] =	ssyncadd.s32 $0xFFFFFFFF  }
0xb5: {  	_ =	strace $0x90000048  }
0xb6: {  	_ =	sfence  }
0xb7: {  	s30 =	sld [smem:$0x0];
	_ =	sdelay $0x2  }
0xb8: {  	s31 =	sshll.u32 s1, $0xD;
	s1 =	sshrl.u32 s1, $0x2  }
0xb9: {  	s3 =	sand.u32 $0x4000, s31;
	s1 =	sadd.s32 s1, s30  }
0xba: {  	s0 =	sor.u32 s3, s0;
	s1 =	sshll.u32 s1, $0x11  }
0xbb: {  	s0 =	sor.u32 s1, s0  }
0xbc: {  	s0 =	sadd.s32 $0x8F2B, s0  }
0xbd: {  	[sflag:s0] =	ssyncadd.remote.s32 $0x1  }
0xbe: {  	_ =	sfence.sel $0xFFFF  }
0xbf: {  	[dreg:$0x0] =	wrdreg $0xFFFFFFFF;
	(pc) =	sbr.abs _section_cstart, $3  }
0xc0: {  	[dreg:$0x1] =	wrdreg $0xFFFFFFFF  }
0xc1: {  	_ =	task.clear_ibuf [dreg:s7], $0x2FFFF;
	_ =	strace $0x9FFFFFFF  }
0xc2: {  	(tm) =	ssettm $0x7FFFFFFF  }
0xc3: {  	_ =	shalt  }
tec
execute0_lowered:
.L_overlay_start_1:
0x0: {  	(tag) =	ssettag $0x1  }
0x1: {  	s0 =	rddreg [dreg:$0x0];
	s1 =	srdreg.scid  }
0x2: {  	s3 =	stileid.u32;
	s2 =	rddreg [dreg:$0x1];
	s25 =	simm.s32 $0x13000  }
0x3: {  	s28 =	simm.s32 $0x1;
	s29 =	simm.s32 $0x14000;
	s30 =	simm.s32 $0x14800  }
0x4: {  	s31 =	simm.s32 $0x15000;
	s6 =	simm.s32 $0x17800;
	s7 =	simm.s32 $0x18000  }
0x5: {  	s8 =	simm.s32 $0x18800;
	s9 =	simm.s32 $0x2;
	s10 =	simm.s32 $0x19000  }
0x6: {  	s11 =	simm.s32 $0x19800;
	s12 =	simm.s32 $0x1A000;
	s13 =	simm.s32 $0x1A800  }
0x7: {  	s14 =	simm.s32 $0x1B000;
	s15 =	simm.s32 $0x1B800;
	s16 =	simm.s32 $0x1C000  }
0x8: {  	s17 =	simm.s32 $0x1C800;
	s18 =	simm.s32 $0x1D000;
	s19 =	simm.s32 $0x1D800  }
0x9: {  	s20 =	simm.s32 $0x3;
	s1 =	sand.u32 $0x1, s1;
	s3 =	sshll.u32 s3, $0x1  }
0xa: {  	s21 =	simm.s32 $0x4;
	s23 =	simm.s32 $0x0;
	s4 =	sor.u32 s1, s3  }
0xb: {  	s3 =	simm.s32 $0x0;
	s1 =	ssub.s32 $0x2, s1;
	s4 =	smul.u32 $0x1400, s4  }
.Ltmp0:
0xc: {  	[smem:$0x7FF] =	sst s3;
	s5 =	sshrl.u32 s1, $0x1;
	(pc) =	sbr.rel .LBB2_1-.Ltmp0, $4  }
0xd: {  	_ =	strace $0x80000047;
	s1 =	ssub.s32 s1, s5;
	s5 =	simm.s32 $0x17000  }
0xe: {  	v2 =	vlaneseq.u32;
	s0 =	sadd.s32 s4, s0;
	s26 =	smax.u32 s1, $0x1;
	s1 =	simm.s32 $0x15800  }
0xf: {  	vm0 =	vmmov $0xffff;
	v1 =	vshrl.u32 v2, $0x3;
	s4 =	simm.s32 $0x16800;
	s0 =	sadd.s32 $0x400, s0;
	[dreg:$0x4] =	wrdreg s26  }
0x10: {  	v0 =	vand.u32 $0x7, v2;
	v2 =	vor.u32 $0x8, v2;
	v1 =	vmul.u32 $0x8, v1;
	s26 =	simm.s32 $0x13800;
	[dreg:$0x3] =	wrdreg s0;
	s0 =	simm.s32 $0x16000  }
.LBB2_6:
0x11: {  	s23 =	rddreg [dreg:$0x5]  }
0x12: {  	s22 =	rddreg [dreg:$0x4];
	s23 =	sadd.s32 $0x1, s23  }
0x13: {  	p0 =	sne.s32 s23, s22  }
.Ltmp1:
0x14: {  	_ = 	snop;
	(pc) =	sbr.rel @!p0 .LBB2_7-.Ltmp1, $1  }
0x15: {  	_ =	sdelay $0x3  }
.LBB2_1:
0x16: {  	[dreg:$0x5] =	wrdreg s23  }
0x17: {  	s22 =	rddreg [dreg:$0x3];
	s24 =	simm.s32 $0x5  }
0x18: {  	[tilespmem:s3], [sflag:$0x5] =	stream.linear.gather [hbm4b:s22+s3], $0xA000, $0x38;
	[tilespmem:$0x1E000] =	vst v63  }
0x19: {  	_ =	swait.ge [sflag:s24], $0xA000  }
0x1a: {  	[sflag:s24] =	ssyncset.done $0x0  }
0x1b: {  	[sflag:s24] =	ssyncadd.s32 $0xFFFF6000  }
0x1c: {  	v3 =	vld [tilespmem:$0x0];
	_ =	sdelay $0x4  }
0x1d: {  	v4 =	vshll.u32 v3, $0x1  }
0x1e: {  	v3 =	vand.u32 $0x7, v3;
	v4 =	vand.u32 $0xFFFFFFF0, v4  }
0x1f: {  	v3 =	vor.u32 v3, v4  }
0x20: {  	v4 =	vperm.xlane v3, v0;
	_ =	sdelay $0x1  }
0x21: {  	v3 =	vperm.xlane v3, v2;
	v4 =	vadd.s32 v1, v4;
	_ =	sdelay $0x1  }
0x22: {  	v3 =	vadd.s32 v1, v3;
	_ =	sdelay $0x1  }
0x23: {  	s23 =	simm.s32 $0xA000  }
0x24: {  	[tilespmem:s23], [sflag:$0x1] =	stream.indirect_vreg.gather [hbm4b:s2+s3], $0x80, v4, vm0, $0xb8;
	[tilespmem:$0x1E000] =	vst v63  }
0x25: {  	s24 =	simm.s32 $0xA800  }
0x26: {  	[tilespmem:s24], [sflag:$0x1] =	stream.indirect_vreg.gather [hbm4b:s2+s3], $0x80, v3, vm0, $0xb8;
	[tilespmem:$0x1E000] =	vst v63  }
0x27: {  	v3 =	vld [tilespmem:$0x10];
	_ =	sdelay $0x4  }
0x28: {  	v55 =	vshll.u32 v3, $0x1  }
0x29: {  	v3 =	vand.u32 $0x7, v3;
	v4 =	vand.u32 $0xFFFFFFF0, v55  }
0x2a: {  	v3 =	vor.u32 v3, v4  }
0x2b: {  	v4 =	vperm.xlane v3, v0;
	_ =	sdelay $0x1  }
0x2c: {  	v3 =	vperm.xlane v3, v2;
	v4 =	vadd.s32 v1, v4;
	_ =	sdelay $0x1  }
0x2d: {  	v3 =	vadd.s32 v1, v3;
	_ =	sdelay $0x1  }
0x2e: {  	s23 =	simm.s32 $0xB000  }
0x2f: {  	[tilespmem:s23], [sflag:$0x1] =	stream.indirect_vreg.gather [hbm4b:s2+s3], $0x80, v4, vm0, $0xb8;
	[tilespmem:$0x1E000] =	vst v63  }
0x30: {  	s24 =	simm.s32 $0xB800  }
0x31: {  	[tilespmem:s24], [sflag:$0x1] =	stream.indirect_vreg.gather [hbm4b:s2+s3], $0x80, v3, vm0, $0xb8;
	[tilespmem:$0x1E000] =	vst v63  }
0x32: {  	v3 =	vld [tilespmem:$0x20];
	_ =	sdelay $0x4  }
0x33: {  	v56 =	vshll.u32 v3, $0x1  }
0x34: {  	v3 =	vand.u32 $0x7, v3;
	v4 =	vand.u32 $0xFFFFFFF0, v56  }
0x35: {  	v3 =	vor.u32 v3, v4  }
0x36: {  	v4 =	vperm.xlane v3, v0;
	_ =	sdelay $0x1  }
0x37: {  	v3 =	vperm.xlane v3, v2;
	v4 =	vadd.s32 v1, v4;
	_ =	sdelay $0x1  }
0x38: {  	v3 =	vadd.s32 v1, v3;
	_ =	sdelay $0x1  }
0x39: {  	s23 =	simm.s32 $0xC000  }
0x3a: {  	[tilespmem:s23], [sflag:$0x1] =	stream.indirect_vreg.gather [hbm4b:s2+s3], $0x80, v4, vm0, $0xb8;
	[tilespmem:$0x1E000] =	vst v63  }
0x3b: {  	s24 =	simm.s32 $0xC800  }
0x3c: {  	[tilespmem:s24], [sflag:$0x1] =	stream.indirect_vreg.gather [hbm4b:s2+s3], $0x80, v3, vm0, $0xb8;
	[tilespmem:$0x1E000] =	vst v63  }
0x3d: {  	v3 =	vld [tilespmem:$0x30];
	_ =	sdelay $0x4  }
0x3e: {  	v57 =	vshll.u32 v3, $0x1  }
0x3f: {  	v3 =	vand.u32 $0x7, v3;
	v4 =	vand.u32 $0xFFFFFFF0, v57  }
0x40: {  	v3 =	vor.u32 v3, v4  }
0x41: {  	v4 =	vperm.xlane v3, v0;
	_ =	sdelay $0x1  }
0x42: {  	v3 =	vperm.xlane v3, v2;
	v4 =	vadd.s32 v1, v4;
	_ =	sdelay $0x1  }
0x43: {  	v3 =	vadd.s32 v1, v3;
	_ =	sdelay $0x1  }
0x44: {  	s23 =	simm.s32 $0xD000  }
0x45: {  	[tilespmem:s23], [sflag:$0x1] =	stream.indirect_vreg.gather [hbm4b:s2+s3], $0x80, v4, vm0, $0xb8;
	[tilespmem:$0x1E000] =	vst v63  }
0x46: {  	s24 =	simm.s32 $0xD800  }
0x47: {  	[tilespmem:s24], [sflag:$0x1] =	stream.indirect_vreg.gather [hbm4b:s2+s3], $0x80, v3, vm0, $0xb8;
	[tilespmem:$0x1E000] =	vst v63  }
0x48: {  	v3 =	vld [tilespmem:$0x40];
	_ =	sdelay $0x4  }
0x49: {  	v58 =	vshll.u32 v3, $0x1  }
0x4a: {  	v3 =	vand.u32 $0x7, v3;
	v4 =	vand.u32 $0xFFFFFFF0, v58  }
0x4b: {  	v3 =	vor.u32 v3, v4  }
0x4c: {  	v4 =	vperm.xlane v3, v0;
	_ =	sdelay $0x1  }
0x4d: {  	v3 =	vperm.xlane v3, v2;
	v4 =	vadd.s32 v1, v4;
	_ =	sdelay $0x1  }
0x4e: {  	v3 =	vadd.s32 v1, v3;
	_ =	sdelay $0x1  }
0x4f: {  	s23 =	simm.s32 $0xE000  }
0x50: {  	[tilespmem:s23], [sflag:$0x1] =	stream.indirect_vreg.gather [hbm4b:s2+s3], $0x80, v4, vm0, $0xb8;
	[tilespmem:$0x1E000] =	vst v63  }
0x51: {  	s24 =	simm.s32 $0xE800  }
0x52: {  	[tilespmem:s24], [sflag:$0x1] =	stream.indirect_vreg.gather [hbm4b:s2+s3], $0x80, v3, vm0, $0xb8;
	[tilespmem:$0x1E000] =	vst v63  }
0x53: {  	v3 =	vld [tilespmem:$0x80];
	_ =	sdelay $0x4  }
0x54: {  	v59 =	vshll.u32 v3, $0x1  }
0x55: {  	v3 =	vand.u32 $0x7, v3;
	v4 =	vand.u32 $0xFFFFFFF0, v59  }
0x56: {  	v3 =	vor.u32 v3, v4  }
0x57: {  	v4 =	vperm.xlane v3, v0;
	_ =	sdelay $0x1  }
0x58: {  	v3 =	vperm.xlane v3, v2;
	v4 =	vadd.s32 v1, v4;
	_ =	sdelay $0x1  }
0x59: {  	v3 =	vadd.s32 v1, v3;
	_ =	sdelay $0x1  }
0x5a: {  	s23 =	simm.s32 $0xF000  }
0x5b: {  	[tilespmem:s23], [sflag:$0x2] =	stream.indirect_vreg.gather [hbm4b:s2+s3], $0x80, v4, vm0, $0xb8;
	[tilespmem:$0x1E000] =	vst v63  }
0x5c: {  	s24 =	simm.s32 $0xF800  }
0x5d: {  	[tilespmem:s24], [sflag:$0x2] =	stream.indirect_vreg.gather [hbm4b:s2+s3], $0x80, v3, vm0, $0xb8;
	[tilespmem:$0x1E000] =	vst v63  }
0x5e: {  	v3 =	vld [tilespmem:$0x90];
	_ =	sdelay $0x4  }
0x5f: {  	v60 =	vshll.u32 v3, $0x1  }
0x60: {  	v3 =	vand.u32 $0x7, v3;
	v4 =	vand.u32 $0xFFFFFFF0, v60  }
0x61: {  	v3 =	vor.u32 v3, v4  }
0x62: {  	v4 =	vperm.xlane v3, v0;
	_ =	sdelay $0x1  }
0x63: {  	v3 =	vperm.xlane v3, v2;
	v4 =	vadd.s32 v1, v4;
	_ =	sdelay $0x1  }
0x64: {  	v3 =	vadd.s32 v1, v3;
	_ =	sdelay $0x1  }
0x65: {  	s23 =	simm.s32 $0x10000  }
0x66: {  	[tilespmem:s23], [sflag:$0x2] =	stream.indirect_vreg.gather [hbm4b:s2+s3], $0x80, v4, vm0, $0xb8;
	[tilespmem:$0x1E000] =	vst v63  }
0x67: {  	s24 =	simm.s32 $0x10800  }
0x68: {  	[tilespmem:s24], [sflag:$0x2] =	stream.indirect_vreg.gather [hbm4b:s2+s3], $0x80, v3, vm0, $0xb8;
	[tilespmem:$0x1E000] =	vst v63  }
0x69: {  	v3 =	vld [tilespmem:$0xA0];
	_ =	sdelay $0x4  }
0x6a: {  	v61 =	vshll.u32 v3, $0x1  }
0x6b: {  	v3 =	vand.u32 $0x7, v3;
	v4 =	vand.u32 $0xFFFFFFF0, v61  }
0x6c: {  	v3 =	vor.u32 v3, v4  }
0x6d: {  	v4 =	vperm.xlane v3, v0;
	_ =	sdelay $0x1  }
0x6e: {  	v3 =	vperm.xlane v3, v2;
	v4 =	vadd.s32 v1, v4;
	_ =	sdelay $0x1  }
0x6f: {  	v3 =	vadd.s32 v1, v3;
	_ =	sdelay $0x1  }
0x70: {  	s23 =	simm.s32 $0x11000  }
0x71: {  	[tilespmem:s23], [sflag:$0x2] =	stream.indirect_vreg.gather [hbm4b:s2+s3], $0x80, v4, vm0, $0xb8;
	[tilespmem:$0x1E000] =	vst v63  }
0x72: {  	s24 =	simm.s32 $0x11800  }
0x73: {  	[tilespmem:s24], [sflag:$0x2] =	stream.indirect_vreg.gather [hbm4b:s2+s3], $0x80, v3, vm0, $0xb8;
	[tilespmem:$0x1E000] =	vst v63  }
0x74: {  	v3 =	vld [tilespmem:$0xB0];
	_ =	sdelay $0x4  }
0x75: {  	v62 =	vshll.u32 v3, $0x1  }
0x76: {  	v3 =	vand.u32 $0x7, v3;
	v4 =	vand.u32 $0xFFFFFFF0, v62  }
0x77: {  	v3 =	vor.u32 v3, v4  }
0x78: {  	v4 =	vperm.xlane v3, v0;
	_ =	sdelay $0x1  }
0x79: {  	v3 =	vperm.xlane v3, v2;
	v4 =	vadd.s32 v1, v4;
	_ =	sdelay $0x1  }
0x7a: {  	v3 =	vadd.s32 v1, v3;
	_ =	sdelay $0x1  }
0x7b: {  	s23 =	simm.s32 $0x12000  }
0x7c: {  	[tilespmem:s23], [sflag:$0x2] =	stream.indirect_vreg.gather [hbm4b:s2+s3], $0x80, v4, vm0, $0xb8;
	[tilespmem:$0x1E000] =	vst v63  }
0x7d: {  	s24 =	simm.s32 $0x12800  }
0x7e: {  	[tilespmem:s24], [sflag:$0x2] =	stream.indirect_vreg.gather [hbm4b:s2+s3], $0x80, v3, vm0, $0xb8;
	[tilespmem:$0x1E000] =	vst v63  }
0x7f: {  	v3 =	vld [tilespmem:$0xC0];
	_ =	sdelay $0x4  }
0x80: {  	v63 =	vshll.u32 v3, $0x1  }
0x81: {  	v3 =	vand.u32 $0x7, v3;
	v4 =	vand.u32 $0xFFFFFFF0, v63  }
0x82: {  	v3 =	vor.u32 v3, v4  }
0x83: {  	v4 =	vperm.xlane v3, v0;
	_ =	sdelay $0x1  }
0x84: {  	v3 =	vperm.xlane v3, v2;
	v4 =	vadd.s32 v1, v4;
	_ =	sdelay $0x1  }
0x85: {  	v3 =	vadd.s32 v1, v3  }
.Ltmp2:
0x86: {  	_ = 	snop;
	(pc) =	sbr.rel .LBB2_2-.Ltmp2, $4  }
0x87: {  	_ = 	snop  }
0x88: {  	[tilespmem:s25], [sflag:$0x2] =	stream.indirect_vreg.gather [hbm4b:s2+s3], $0x80, v4, vm0, $0xb8;
	[tilespmem:$0x1E000] =	vst v63  }
0x89: {  	s22 =	simm.s32 $0x180;
	s23 =	simm.s32 $0x0  }
0x8a: {  	[tilespmem:s26], [sflag:$0x2] =	stream.indirect_vreg.gather [hbm4b:s2+s3], $0x80, v3, vm0, $0xb8;
	[tilespmem:$0x1E000] =	vst v63  }
.LBB2_4:
0x8b: {  	v3 =	vld [tilespmem:s22+$0x80];
	_ =	sdelay $0x4  }
0x8c: {  	v4 =	vshll.u32 v3, $0x1  }
0x8d: {  	v3 =	vand.u32 $0x7, v3;
	v4 =	vand.u32 $0xFFFFFFF0, v4  }
0x8e: {  	v3 =	vor.u32 v3, v4  }
0x8f: {  	v4 =	vperm.xlane v3, v0;
	_ =	sdelay $0x1  }
0x90: {  	v3 =	vperm.xlane v3, v2;
	v4 =	vadd.s32 v1, v4;
	_ =	sdelay $0x1  }
0x91: {  	v3 =	vadd.s32 v1, v3;
	_ =	sdelay $0x1  }
0x92: {  	s24 =	simm.s32 $0xA000  }
0x93: {  	[tilespmem:s24], [sflag:$0x1] =	stream.indirect_vreg.gather [hbm4b:s2+s3], $0x80, v4, vm0, $0xb8;
	[tilespmem:$0x1E000] =	vst v63  }
0x94: {  	s24 =	simm.s32 $0xA800  }
0x95: {  	[tilespmem:s24], [sflag:$0x1] =	stream.indirect_vreg.gather [hbm4b:s2+s3], $0x80, v3, vm0, $0xb8;
	[tilespmem:$0x1E000] =	vst v63  }
0x96: {  	v3 =	vld [tilespmem:s22+$0x90];
	_ =	sdelay $0x4  }
0x97: {  	v55 =	vshll.u32 v3, $0x1  }
0x98: {  	v3 =	vand.u32 $0x7, v3;
	v4 =	vand.u32 $0xFFFFFFF0, v55  }
0x99: {  	v3 =	vor.u32 v3, v4  }
0x9a: {  	v4 =	vperm.xlane v3, v0;
	_ =	sdelay $0x1  }
0x9b: {  	v3 =	vperm.xlane v3, v2;
	v4 =	vadd.s32 v1, v4;
	_ =	sdelay $0x1  }
0x9c: {  	v3 =	vadd.s32 v1, v3;
	_ =	sdelay $0x1  }
0x9d: {  	s24 =	simm.s32 $0xB000  }
0x9e: {  	[tilespmem:s24], [sflag:$0x1] =	stream.indirect_vreg.gather [hbm4b:s2+s3], $0x80, v4, vm0, $0xb8;
	[tilespmem:$0x1E000] =	vst v63  }
0x9f: {  	s24 =	simm.s32 $0xB800  }
0xa0: {  	[tilespmem:s24], [sflag:$0x1] =	stream.indirect_vreg.gather [hbm4b:s2+s3], $0x80, v3, vm0, $0xb8;
	[tilespmem:$0x1E000] =	vst v63  }
0xa1: {  	v3 =	vld [tilespmem:s22+$0xA0];
	_ =	sdelay $0x4  }
0xa2: {  	v56 =	vshll.u32 v3, $0x1  }
0xa3: {  	v3 =	vand.u32 $0x7, v3;
	v4 =	vand.u32 $0xFFFFFFF0, v56  }
0xa4: {  	v3 =	vor.u32 v3, v4  }
0xa5: {  	v4 =	vperm.xlane v3, v0;
	_ =	sdelay $0x1  }
0xa6: {  	v3 =	vperm.xlane v3, v2;
	v4 =	vadd.s32 v1, v4;
	_ =	sdelay $0x1  }
0xa7: {  	v3 =	vadd.s32 v1, v3;
	_ =	sdelay $0x1  }
0xa8: {  	s24 =	simm.s32 $0xC000  }
0xa9: {  	[tilespmem:s24], [sflag:$0x1] =	stream.indirect_vreg.gather [hbm4b:s2+s3], $0x80, v4, vm0, $0xb8;
	[tilespmem:$0x1E000] =	vst v63  }
0xaa: {  	s24 =	simm.s32 $0xC800  }
0xab: {  	[tilespmem:s24], [sflag:$0x1] =	stream.indirect_vreg.gather [hbm4b:s2+s3], $0x80, v3, vm0, $0xb8;
	[tilespmem:$0x1E000] =	vst v63  }
0xac: {  	v3 =	vld [tilespmem:s22+$0xB0];
	_ =	sdelay $0x4  }
0xad: {  	v57 =	vshll.u32 v3, $0x1  }
0xae: {  	v3 =	vand.u32 $0x7, v3;
	v4 =	vand.u32 $0xFFFFFFF0, v57  }
0xaf: {  	v3 =	vor.u32 v3, v4  }
0xb0: {  	v4 =	vperm.xlane v3, v0;
	_ =	sdelay $0x1  }
0xb1: {  	v3 =	vperm.xlane v3, v2;
	v4 =	vadd.s32 v1, v4;
	_ =	sdelay $0x1  }
0xb2: {  	v3 =	vadd.s32 v1, v3;
	_ =	sdelay $0x1  }
0xb3: {  	s24 =	simm.s32 $0xD000  }
0xb4: {  	[tilespmem:s24], [sflag:$0x1] =	stream.indirect_vreg.gather [hbm4b:s2+s3], $0x80, v4, vm0, $0xb8;
	[tilespmem:$0x1E000] =	vst v63  }
0xb5: {  	s24 =	simm.s32 $0xD800  }
0xb6: {  	[tilespmem:s24], [sflag:$0x1] =	stream.indirect_vreg.gather [hbm4b:s2+s3], $0x80, v3, vm0, $0xb8;
	[tilespmem:$0x1E000] =	vst v63  }
0xb7: {  	v3 =	vld [tilespmem:s22+$0xC0];
	_ =	sdelay $0x4  }
0xb8: {  	v58 =	vshll.u32 v3, $0x1  }
0xb9: {  	v3 =	vand.u32 $0x7, v3;
	v4 =	vand.u32 $0xFFFFFFF0, v58  }
0xba: {  	v3 =	vor.u32 v3, v4  }
0xbb: {  	v4 =	vperm.xlane v3, v0;
	_ =	sdelay $0x1  }
0xbc: {  	v3 =	vperm.xlane v3, v2;
	v4 =	vadd.s32 v1, v4;
	_ =	sdelay $0x1  }
0xbd: {  	v3 =	vadd.s32 v1, v3;
	_ =	sdelay $0x1  }
0xbe: {  	s24 =	simm.s32 $0xE000  }
0xbf: {  	[tilespmem:s24], [sflag:$0x1] =	stream.indirect_vreg.gather [hbm4b:s2+s3], $0x80, v4, vm0, $0xb8;
	[tilespmem:$0x1E000] =	vst v63  }
0xc0: {  	s24 =	simm.s32 $0xE800  }
0xc1: {  	[tilespmem:s24], [sflag:$0x1] =	stream.indirect_vreg.gather [hbm4b:s2+s3], $0x80, v3, vm0, $0xb8;
	[tilespmem:$0x1E000] =	vst v63  }
0xc2: {  	_ =	swait.ge [sflag:s21], $0x5000  }
0xc3: {  	[sflag:s21] =	ssyncset.done $0x0  }
0xc4: {  	[sflag:s21] =	ssyncadd.s32 $0xFFFFB000  }
0xc5: {  	v3 =	vld [tilespmem:s22+$0x100];
	_ =	sdelay $0x4  }
0xc6: {  	v59 =	vshll.u32 v3, $0x1  }
0xc7: {  	v3 =	vand.u32 $0x7, v3;
	v4 =	vand.u32 $0xFFFFFFF0, v59  }
0xc8: {  	v3 =	vor.u32 v3, v4  }
0xc9: {  	v4 =	vperm.xlane v3, v0;
	_ =	sdelay $0x1  }
0xca: {  	v3 =	vperm.xlane v3, v2;
	v4 =	vadd.s32 v1, v4;
	_ =	sdelay $0x1  }
0xcb: {  	v3 =	vadd.s32 v1, v3;
	_ =	sdelay $0x1  }
0xcc: {  	s24 =	simm.s32 $0xF000  }
0xcd: {  	[tilespmem:s24], [sflag:$0x2] =	stream.indirect_vreg.gather [hbm4b:s2+s3], $0x80, v4, vm0, $0xb8;
	[tilespmem:$0x1E000] =	vst v63  }
0xce: {  	s24 =	simm.s32 $0xF800  }
0xcf: {  	[tilespmem:s24], [sflag:$0x2] =	stream.indirect_vreg.gather [hbm4b:s2+s3], $0x80, v3, vm0, $0xb8;
	[tilespmem:$0x1E000] =	vst v63  }
0xd0: {  	v3 =	vld [tilespmem:s22+$0x110];
	_ =	sdelay $0x4  }
0xd1: {  	v60 =	vshll.u32 v3, $0x1  }
0xd2: {  	v3 =	vand.u32 $0x7, v3;
	v4 =	vand.u32 $0xFFFFFFF0, v60  }
0xd3: {  	v3 =	vor.u32 v3, v4  }
0xd4: {  	v4 =	vperm.xlane v3, v0;
	_ =	sdelay $0x1  }
0xd5: {  	v3 =	vperm.xlane v3, v2;
	v4 =	vadd.s32 v1, v4;
	_ =	sdelay $0x1  }
0xd6: {  	v3 =	vadd.s32 v1, v3;
	_ =	sdelay $0x1  }
0xd7: {  	s24 =	simm.s32 $0x10000  }
0xd8: {  	[tilespmem:s24], [sflag:$0x2] =	stream.indirect_vreg.gather [hbm4b:s2+s3], $0x80, v4, vm0, $0xb8;
	[tilespmem:$0x1E000] =	vst v63  }
0xd9: {  	s24 =	simm.s32 $0x10800  }
0xda: {  	[tilespmem:s24], [sflag:$0x2] =	stream.indirect_vreg.gather [hbm4b:s2+s3], $0x80, v3, vm0, $0xb8;
	[tilespmem:$0x1E000] =	vst v63  }
0xdb: {  	v3 =	vld [tilespmem:s22+$0x120];
	_ =	sdelay $0x4  }
0xdc: {  	v61 =	vshll.u32 v3, $0x1  }
0xdd: {  	v3 =	vand.u32 $0x7, v3;
	v4 =	vand.u32 $0xFFFFFFF0, v61  }
0xde: {  	v3 =	vor.u32 v3, v4  }
0xdf: {  	v4 =	vperm.xlane v3, v0;
	_ =	sdelay $0x1  }
0xe0: {  	v3 =	vperm.xlane v3, v2;
	v4 =	vadd.s32 v1, v4;
	_ =	sdelay $0x1  }
0xe1: {  	v3 =	vadd.s32 v1, v3;
	_ =	sdelay $0x1  }
0xe2: {  	s24 =	simm.s32 $0x11000  }
0xe3: {  	[tilespmem:s24], [sflag:$0x2] =	stream.indirect_vreg.gather [hbm4b:s2+s3], $0x80, v4, vm0, $0xb8;
	[tilespmem:$0x1E000] =	vst v63  }
0xe4: {  	s24 =	simm.s32 $0x11800  }
0xe5: {  	[tilespmem:s24], [sflag:$0x2] =	stream.indirect_vreg.gather [hbm4b:s2+s3], $0x80, v3, vm0, $0xb8;
	[tilespmem:$0x1E000] =	vst v63  }
0xe6: {  	v3 =	vld [tilespmem:s22+$0x130];
	_ =	sdelay $0x4  }
0xe7: {  	v62 =	vshll.u32 v3, $0x1  }
0xe8: {  	v3 =	vand.u32 $0x7, v3;
	v4 =	vand.u32 $0xFFFFFFF0, v62  }
0xe9: {  	v3 =	vor.u32 v3, v4  }
0xea: {  	v4 =	vperm.xlane v3, v0;
	_ =	sdelay $0x1  }
0xeb: {  	v3 =	vperm.xlane v3, v2;
	v4 =	vadd.s32 v1, v4;
	_ =	sdelay $0x1  }
0xec: {  	v3 =	vadd.s32 v1, v3;
	_ =	sdelay $0x1  }
0xed: {  	s24 =	simm.s32 $0x12000  }
0xee: {  	[tilespmem:s24], [sflag:$0x2] =	stream.indirect_vreg.gather [hbm4b:s2+s3], $0x80, v4, vm0, $0xb8;
	[tilespmem:$0x1E000] =	vst v63  }
0xef: {  	s24 =	simm.s32 $0x12800  }
0xf0: {  	[tilespmem:s24], [sflag:$0x2] =	stream.indirect_vreg.gather [hbm4b:s2+s3], $0x80, v3, vm0, $0xb8;
	[tilespmem:$0x1E000] =	vst v63  }
0xf1: {  	v3 =	vld [tilespmem:s22+$0x140];
	_ =	sdelay $0x4  }
0xf2: {  	v63 =	vshll.u32 v3, $0x1  }
0xf3: {  	v3 =	vand.u32 $0x7, v3;
	v4 =	vand.u32 $0xFFFFFFF0, v63  }
0xf4: {  	v3 =	vor.u32 v3, v4  }
0xf5: {  	v4 =	vperm.xlane v3, v0;
	_ =	sdelay $0x1  }
0xf6: {  	v3 =	vperm.xlane v3, v2;
	v4 =	vadd.s32 v1, v4;
	_ =	sdelay $0x1  }
0xf7: {  	v3 =	vadd.s32 v1, v3;
	_ =	sdelay $0x2  }
0xf8: {  	[tilespmem:s25], [sflag:$0x2] =	stream.indirect_vreg.gather [hbm4b:s2+s3], $0x80, v4, vm0, $0xb8;
	[tilespmem:$0x1E000] =	vst v63  }
0xf9: {  	_ = 	snop  }
0xfa: {  	[tilespmem:s26], [sflag:$0x2] =	stream.indirect_vreg.gather [hbm4b:s2+s3], $0x80, v3, vm0, $0xb8;
	[tilespmem:$0x1E000] =	vst v63  }
.LBB2_5:
0xfb: {  	s23 =	sadd.s32 $0x1, s23  }
0xfc: {  	p0 =	sne.s32 s23, $0x50  }
.Ltmp3:
0xfd: {  	_ = 	snop;
	(pc) =	sbr.rel @!p0 .LBB2_6-.Ltmp3, $2  }
0xfe: {  	_ =	sdelay $0x2  }
0xff: {  	s22 =	sadd.s32 $0x200, s22  }
.LBB2_2:
0x100: {  	_ =	swait.ge [sflag:s28], $0x5000  }
0x101: {  	[sflag:s28] =	ssyncset.done $0x0  }
0x102: {  	[sflag:s28] =	ssyncadd.s32 $0xFFFFB000  }
0x103: {  	v3 =	vld [tilespmem:s22+$0xFFFFFF80];
	_ =	sdelay $0x4  }
0x104: {  	v4 =	vshll.u32 v3, $0x1  }
0x105: {  	v3 =	vand.u32 $0x7, v3;
	v4 =	vand.u32 $0xFFFFFFF0, v4  }
0x106: {  	v3 =	vor.u32 v3, v4  }
0x107: {  	v4 =	vperm.xlane v3, v0;
	_ =	sdelay $0x1  }
0x108: {  	v3 =	vperm.xlane v3, v2;
	v4 =	vadd.s32 v1, v4;
	_ =	sdelay $0x1  }
0x109: {  	v3 =	vadd.s32 v1, v3;
	_ =	sdelay $0x2  }
0x10a: {  	[tilespmem:s29], [sflag:$0x3] =	stream.indirect_vreg.gather [hbm4b:s2+s3], $0x80, v4, vm0, $0xb8;
	[tilespmem:$0x1E000] =	vst v63  }
0x10b: {  	_ = 	snop  }
0x10c: {  	[tilespmem:s30], [sflag:$0x3] =	stream.indirect_vreg.gather [hbm4b:s2+s3], $0x80, v3, vm0, $0xb8;
	[tilespmem:$0x1E000] =	vst v63  }
0x10d: {  	v3 =	vld [tilespmem:s22+$0xFFFFFF90];
	_ =	sdelay $0x4  }
0x10e: {  	v55 =	vshll.u32 v3, $0x1  }
0x10f: {  	v3 =	vand.u32 $0x7, v3;
	v4 =	vand.u32 $0xFFFFFFF0, v55  }
0x110: {  	v3 =	vor.u32 v3, v4  }
0x111: {  	v4 =	vperm.xlane v3, v0;
	_ =	sdelay $0x1  }
0x112: {  	v3 =	vperm.xlane v3, v2;
	v4 =	vadd.s32 v1, v4;
	_ =	sdelay $0x1  }
0x113: {  	v3 =	vadd.s32 v1, v3;
	_ =	sdelay $0x2  }
0x114: {  	[tilespmem:s31], [sflag:$0x3] =	stream.indirect_vreg.gather [hbm4b:s2+s3], $0x80, v4, vm0, $0xb8;
	[tilespmem:$0x1E000] =	vst v63  }
0x115: {  	_ = 	snop  }
0x116: {  	[tilespmem:s1], [sflag:$0x3] =	stream.indirect_vreg.gather [hbm4b:s2+s3], $0x80, v3, vm0, $0xb8;
	[tilespmem:$0x1E000] =	vst v63  }
0x117: {  	v3 =	vld [tilespmem:s22+$0xFFFFFFA0];
	_ =	sdelay $0x4  }
0x118: {  	v56 =	vshll.u32 v3, $0x1  }
0x119: {  	v3 =	vand.u32 $0x7, v3;
	v4 =	vand.u32 $0xFFFFFFF0, v56  }
0x11a: {  	v3 =	vor.u32 v3, v4  }
0x11b: {  	v4 =	vperm.xlane v3, v0;
	_ =	sdelay $0x1  }
0x11c: {  	v3 =	vperm.xlane v3, v2;
	v4 =	vadd.s32 v1, v4;
	_ =	sdelay $0x1  }
0x11d: {  	v3 =	vadd.s32 v1, v3;
	_ =	sdelay $0x2  }
0x11e: {  	[tilespmem:s0], [sflag:$0x3] =	stream.indirect_vreg.gather [hbm4b:s2+s3], $0x80, v4, vm0, $0xb8;
	[tilespmem:$0x1E000] =	vst v63  }
0x11f: {  	_ = 	snop  }
0x120: {  	[tilespmem:s4], [sflag:$0x3] =	stream.indirect_vreg.gather [hbm4b:s2+s3], $0x80, v3, vm0, $0xb8;
	[tilespmem:$0x1E000] =	vst v63  }
0x121: {  	v3 =	vld [tilespmem:s22+$0xFFFFFFB0];
	_ =	sdelay $0x4  }
0x122: {  	v57 =	vshll.u32 v3, $0x1  }
0x123: {  	v3 =	vand.u32 $0x7, v3;
	v4 =	vand.u32 $0xFFFFFFF0, v57  }
0x124: {  	v3 =	vor.u32 v3, v4  }
0x125: {  	v4 =	vperm.xlane v3, v0;
	_ =	sdelay $0x1  }
0x126: {  	v3 =	vperm.xlane v3, v2;
	v4 =	vadd.s32 v1, v4;
	_ =	sdelay $0x1  }
0x127: {  	v3 =	vadd.s32 v1, v3;
	_ =	sdelay $0x2  }
0x128: {  	[tilespmem:s5], [sflag:$0x3] =	stream.indirect_vreg.gather [hbm4b:s2+s3], $0x80, v4, vm0, $0xb8;
	[tilespmem:$0x1E000] =	vst v63  }
0x129: {  	_ = 	snop  }
0x12a: {  	[tilespmem:s6], [sflag:$0x3] =	stream.indirect_vreg.gather [hbm4b:s2+s3], $0x80, v3, vm0, $0xb8;
	[tilespmem:$0x1E000] =	vst v63  }
0x12b: {  	v3 =	vld [tilespmem:s22+$0xFFFFFFC0];
	_ =	sdelay $0x4  }
0x12c: {  	v58 =	vshll.u32 v3, $0x1  }
0x12d: {  	v3 =	vand.u32 $0x7, v3;
	v4 =	vand.u32 $0xFFFFFFF0, v58  }
0x12e: {  	v3 =	vor.u32 v3, v4  }
0x12f: {  	v4 =	vperm.xlane v3, v0;
	_ =	sdelay $0x1  }
0x130: {  	v3 =	vperm.xlane v3, v2;
	v4 =	vadd.s32 v1, v4;
	_ =	sdelay $0x1  }
0x131: {  	v3 =	vadd.s32 v1, v3;
	_ =	sdelay $0x2  }
0x132: {  	[tilespmem:s7], [sflag:$0x3] =	stream.indirect_vreg.gather [hbm4b:s2+s3], $0x80, v4, vm0, $0xb8;
	[tilespmem:$0x1E000] =	vst v63  }
0x133: {  	_ = 	snop  }
0x134: {  	[tilespmem:s8], [sflag:$0x3] =	stream.indirect_vreg.gather [hbm4b:s2+s3], $0x80, v3, vm0, $0xb8;
	[tilespmem:$0x1E000] =	vst v63  }
0x135: {  	_ =	swait.ge [sflag:s9], $0x5000  }
0x136: {  	[sflag:s9] =	ssyncset.done $0x0  }
0x137: {  	[sflag:s9] =	ssyncadd.s32 $0xFFFFB000  }
0x138: {  	v3 =	vld [tilespmem:s22+$0x0];
	_ =	sdelay $0x4  }
0x139: {  	v59 =	vshll.u32 v3, $0x1  }
0x13a: {  	v3 =	vand.u32 $0x7, v3;
	v4 =	vand.u32 $0xFFFFFFF0, v59  }
0x13b: {  	v3 =	vor.u32 v3, v4  }
0x13c: {  	v4 =	vperm.xlane v3, v0;
	_ =	sdelay $0x1  }
0x13d: {  	v3 =	vperm.xlane v3, v2;
	v4 =	vadd.s32 v1, v4;
	_ =	sdelay $0x1  }
0x13e: {  	v3 =	vadd.s32 v1, v3;
	_ =	sdelay $0x2  }
0x13f: {  	[tilespmem:s10], [sflag:$0x4] =	stream.indirect_vreg.gather [hbm4b:s2+s3], $0x80, v4, vm0, $0xb8;
	[tilespmem:$0x1E000] =	vst v63  }
0x140: {  	_ = 	snop  }
0x141: {  	[tilespmem:s11], [sflag:$0x4] =	stream.indirect_vreg.gather [hbm4b:s2+s3], $0x80, v3, vm0, $0xb8;
	[tilespmem:$0x1E000] =	vst v63  }
0x142: {  	v3 =	vld [tilespmem:s22+$0x10];
	_ =	sdelay $0x4  }
0x143: {  	v60 =	vshll.u32 v3, $0x1  }
0x144: {  	v3 =	vand.u32 $0x7, v3;
	v4 =	vand.u32 $0xFFFFFFF0, v60  }
0x145: {  	v3 =	vor.u32 v3, v4  }
0x146: {  	v4 =	vperm.xlane v3, v0;
	_ =	sdelay $0x1  }
0x147: {  	v3 =	vperm.xlane v3, v2;
	v4 =	vadd.s32 v1, v4;
	_ =	sdelay $0x1  }
0x148: {  	v3 =	vadd.s32 v1, v3;
	_ =	sdelay $0x2  }
0x149: {  	[tilespmem:s12], [sflag:$0x4] =	stream.indirect_vreg.gather [hbm4b:s2+s3], $0x80, v4, vm0, $0xb8;
	[tilespmem:$0x1E000] =	vst v63  }
0x14a: {  	_ = 	snop  }
0x14b: {  	[tilespmem:s13], [sflag:$0x4] =	stream.indirect_vreg.gather [hbm4b:s2+s3], $0x80, v3, vm0, $0xb8;
	[tilespmem:$0x1E000] =	vst v63  }
0x14c: {  	v3 =	vld [tilespmem:s22+$0x20];
	_ =	sdelay $0x4  }
0x14d: {  	v61 =	vshll.u32 v3, $0x1  }
0x14e: {  	v3 =	vand.u32 $0x7, v3;
	v4 =	vand.u32 $0xFFFFFFF0, v61  }
0x14f: {  	v3 =	vor.u32 v3, v4  }
0x150: {  	v4 =	vperm.xlane v3, v0;
	_ =	sdelay $0x1  }
0x151: {  	v3 =	vperm.xlane v3, v2;
	v4 =	vadd.s32 v1, v4;
	_ =	sdelay $0x1  }
0x152: {  	v3 =	vadd.s32 v1, v3;
	_ =	sdelay $0x2  }
0x153: {  	[tilespmem:s14], [sflag:$0x4] =	stream.indirect_vreg.gather [hbm4b:s2+s3], $0x80, v4, vm0, $0xb8;
	[tilespmem:$0x1E000] =	vst v63  }
0x154: {  	_ = 	snop  }
0x155: {  	[tilespmem:s15], [sflag:$0x4] =	stream.indirect_vreg.gather [hbm4b:s2+s3], $0x80, v3, vm0, $0xb8;
	[tilespmem:$0x1E000] =	vst v63  }
0x156: {  	v3 =	vld [tilespmem:s22+$0x30];
	_ =	sdelay $0x4  }
0x157: {  	v62 =	vshll.u32 v3, $0x1  }
0x158: {  	v3 =	vand.u32 $0x7, v3;
	v4 =	vand.u32 $0xFFFFFFF0, v62  }
0x159: {  	v3 =	vor.u32 v3, v4  }
0x15a: {  	v4 =	vperm.xlane v3, v0;
	_ =	sdelay $0x1  }
0x15b: {  	v3 =	vperm.xlane v3, v2;
	v4 =	vadd.s32 v1, v4;
	_ =	sdelay $0x1  }
0x15c: {  	v3 =	vadd.s32 v1, v3;
	_ =	sdelay $0x2  }
0x15d: {  	[tilespmem:s16], [sflag:$0x4] =	stream.indirect_vreg.gather [hbm4b:s2+s3], $0x80, v4, vm0, $0xb8;
	[tilespmem:$0x1E000] =	vst v63  }
0x15e: {  	_ = 	snop  }
0x15f: {  	[tilespmem:s17], [sflag:$0x4] =	stream.indirect_vreg.gather [hbm4b:s2+s3], $0x80, v3, vm0, $0xb8;
	[tilespmem:$0x1E000] =	vst v63  }
0x160: {  	v3 =	vld [tilespmem:s22+$0x40];
	_ =	sdelay $0x4  }
0x161: {  	v63 =	vshll.u32 v3, $0x1  }
0x162: {  	v3 =	vand.u32 $0x7, v3;
	v4 =	vand.u32 $0xFFFFFFF0, v63  }
0x163: {  	v3 =	vor.u32 v3, v4  }
0x164: {  	v4 =	vperm.xlane v3, v0;
	_ =	sdelay $0x1  }
0x165: {  	v3 =	vperm.xlane v3, v2;
	v4 =	vadd.s32 v1, v4;
	_ =	sdelay $0x1  }
0x166: {  	v3 =	vadd.s32 v1, v3;
	_ =	sdelay $0x1  }
0x167: {  	p0 =	slt.u32 s23, $0x4F  }
0x168: {  	[tilespmem:s18], [sflag:$0x4] =	stream.indirect_vreg.gather [hbm4b:s2+s3], $0x80, v4, vm0, $0xb8;
	[tilespmem:$0x1E000] =	vst v63  }
.Ltmp4:
0x169: {  	_ = 	snop;
	(pc) =	sbr.rel @p0 .LBB2_4-.Ltmp4, $4  }
0x16a: {  	[tilespmem:s19], [sflag:$0x4] =	stream.indirect_vreg.gather [hbm4b:s2+s3], $0x80, v3, vm0, $0xb8;
	[tilespmem:$0x1E000] =	vst v63  }
0x16b: {  	_ =	swait.ge [sflag:s20], $0x5000  }
0x16c: {  	[sflag:s20] =	ssyncset.done $0x0  }
0x16d: {  	[sflag:s20] =	ssyncadd.s32 $0xFFFFB000  }
.Ltmp5:
0x16e: {  	(pc) =	sbr.rel .LBB2_5-.Ltmp5, $4  }
0x16f: {  	_ = 	snop  }
0x170: {  	_ =	swait.ge [sflag:s21], $0x5000  }
0x171: {  	[sflag:s21] =	ssyncset.done $0x0  }
0x172: {  	[sflag:s21] =	ssyncadd.s32 $0xFFFFB000  }
.LBB2_7:
0x173: {  	_ =	sfence.sel $0x180000  }
0x174: {  	[bflag:$0x0] =	sbarrier.arrive $0xFFFF  }
0x175: {  	_ =	strace $0x90000047  }
0x176: {  	s0 =	stileid.u32;
	[bflag:$0x2] =	sbarrier.arrive $0xFFFF  }
0x177: {  	p0 =	sne.s32 s0, $0x0;
	s0 =	rddreg [dreg:$0x2]  }
0x178: {  	s0 =	sadd.s32 @!p0 $0x100000, s0  }
0x179: {  	[sflag:s0] =	ssyncadd.tile.s32 @!p0 $0x1;
	_ =	shalt  }
.Lfunc_end2:
_tile_overlayer_lowered:
.L_overlay_start_2:
0x17a: {  	(tag) =	ssettag $0x2  }
0x17b: {  	s0 =	rddreg [dreg:$0x0];
	s2 =	stileid.u32  }
0x17c: {  	s1 =	rddreg [dreg:$0x1];
	p0 =	sne.s32 s2, $0x0  }
0x17d: {  	s3 =	rddreg [dreg:$0x2];
	[bflag:$0x3] =	sbarrier.arrive $0xFFFF;
	s2 =	simm.s32 @!p0 $0x1C05  }
0x17e: {  	[timem:s3], [sflag:s2] =	dma.local @!p0 [hbm:s0], s1  }
0x17f: {  	s0 =	simm.s32 @!p0 $0x5  }
0x180: {  	_ =	swait.ge @!p0 [sflag:s0], s1  }
0x181: {  	s1 =	ssub.s32 @!p0 $0x0, s1;
	[sflag:s0] =	ssyncset.done @!p0 $0x0  }
0x182: {  	[sflag:s0] =	ssyncadd.s32 @!p0 s1  }
0x183: {  	[bflag:$0x3] =	sbarrier.arrive $0xFFFF  }
0x184: {  	_ =	shalt  }

</sc_bundles>
